<compile_context>
chip_gen: v7x
topology: tpu7x:2x2x1
jax: 0.10.2.dev20260603
libtpu: 0.0.44.dev20260713+nightly
codegen_flags: <defaults>
</compile_context>

<pallas_src>
import functools

import jax
import jax.numpy as jnp
from jax import lax
from jax.experimental import pallas as pl
from jax.experimental.pallas import tpu as pltpu
from jax.experimental.pallas import tpu_sc as plsc

B, S, V = 16, 16, 100000
N = B * S
LANES = 16
NWORK = N // LANES

_LN2 = 0.6931471805599453
_SQRT2 = 1.4142135623730951


def _neg_log(x):
    bits = lax.bitcast_convert_type(x, jnp.int32)
    e = ((bits >> 23) & 0xFF) - 127
    m = lax.bitcast_convert_type((bits & 0x007FFFFF) | 0x3F800000, jnp.float32)
    big = m > _SQRT2
    m = jnp.where(big, m * 0.5, m)
    e = jnp.where(big, e + 1, e)
    s = (m - 1.0) / (m + 1.0)
    z = s * s
    poly = 2.0 * s * (1.0 + z * (1.0 / 3.0 + z * (1.0 / 5.0 + z * (1.0 / 7.0 + z * (1.0 / 9.0)))))
    return -(poly + e.astype(jnp.float32) * _LN2)


def _lane_sum(v):
    lane = lax.iota(jnp.int32, LANES)
    dnums = lax.GatherDimensionNumbers(
        offset_dims=(), collapsed_slice_dims=(0,), start_index_map=(0,))
    for sh in (8, 4, 2, 1):
        perm = jnp.reshape(lane ^ sh, (LANES, 1))
        v = v + lax.gather(v, perm, dnums, (1,),
                           mode=lax.GatherScatterMode.PROMISE_IN_BOUNDS)
    return v


def _loss_kernel(out_hbm, tgt_hbm, res_hbm, tgt_v, val_v, stage_v, acc_v,
                 shared, sem):
    c = lax.axis_index("c")
    s = lax.axis_index("s")

    @pl.when(c == 0)
    def _gather_and_partial():
        base = s * LANES
        pltpu.sync_copy(tgt_hbm.at[s], tgt_v)
        tgt = tgt_v[...]
        k = base + lax.iota(jnp.int32, LANES)
        idx = k * V + tgt
        pltpu.async_copy(out_hbm.at[idx], val_v, sem).wait()
        val_v[...] = _neg_log(val_v[...])
        pltpu.sync_copy(val_v, shared.at[pl.ds(s * LANES, LANES)])

    plsc.subcore_barrier()

    @pl.when((c == 0) & (s == 0))
    def _reduce():
        pltpu.sync_copy(shared, stage_v)
        acc = jnp.zeros((LANES,), jnp.float32)
        for w in range(NWORK):
            acc = acc + stage_v[pl.ds(w * LANES, LANES)]
        acc_v[...] = _lane_sum(acc)
        pltpu.sync_copy(acc_v, res_hbm)


@jax.jit
def _loss(out_flat, tgt_flat):
    mesh = plsc.VectorSubcoreMesh(
        core_axis_name="c", subcore_axis_name="s", num_cores=1)
    run = functools.partial(
        pl.kernel,
        mesh=mesh,
        out_type=jax.ShapeDtypeStruct((LANES,), jnp.float32),
        scratch_types=[
            pltpu.VMEM((LANES,), jnp.int32),
            pltpu.VMEM((LANES,), jnp.float32),
            pltpu.VMEM((N,), jnp.float32),
            pltpu.VMEM((LANES,), jnp.float32),
            pltpu.VMEM_SHARED((N,), jnp.float32),
            pltpu.SemaphoreType.DMA,
        ],
    )(_loss_kernel)
    return run(out_flat, tgt_flat)


def kernel(output, target):
    out_flat = output.reshape(-1)
    tgt2d = target.astype(jnp.int32)
    res = _loss(out_flat, tgt2d)
    return res[0].reshape(())

# --- scband reference (transcript-rebuilt; emitter-appended) ---
"""Pipeline reference for scband-my-loss-49074296324832 (READ-ONLY COPY).

The authoritative reference and input builder live on the scoring server;
editing this copy changes nothing except your own understanding.
"""

import jax, jax.numpy as jnp
import numpy as np

B, S, V = 16, 16, 100000

def setup_inputs(seed: int = 0) -> dict:
    key = jax.random.key(seed)
    k1, k2 = jax.random.split(key)
    output = jax.random.uniform(k1, (B, S, V), dtype=jnp.float32, minval=1e-6, maxval=1.0)
    target = jax.random.randint(k2, (B, S), 0, V, dtype=jnp.int64)
    return {"output": output, "target": target}

def reference(output, target):
    # Faithful translation of the double loop:
    # loss = sum_{i,j} -log(output[i, j, target[i, j]])
    gathered = jnp.take_along_axis(output, target[..., None].astype(jnp.int32), axis=2)[..., 0]
    loss = jnp.sum(-jnp.log(gathered))
    return loss

if __name__ == "__main__":
    import jax
    _d = setup_inputs()
    print(jax.jit(kernel)(*tuple(_d.values())))

</pallas_src>

<mosaic_0001>
#map = affine_map<(d0, d1) -> (0)>
#map1 = affine_map<(d0, d1) -> (0, 0)>
module attributes {stable_mosaic.version = 14 : i64} {
  func.func @_loss_kernel(%arg0: i32, %arg1: i32, %arg2: memref<25600000xf32, #tpu.memory_space<hbm>>, %arg3: memref<16x16xi32, #tpu.memory_space<hbm>>, %arg4: memref<16xf32, #tpu.memory_space<hbm>>, %arg5: memref<16xi32, #tpu.memory_space<vmem>>, %arg6: memref<16xf32, #tpu.memory_space<vmem>>, %arg7: memref<256xf32, #tpu.memory_space<vmem>>, %arg8: memref<16xf32, #tpu.memory_space<vmem>>, %arg9: memref<256xf32, #tpu.memory_space<vmem_shared>>, %arg10: memref<!tpu.dma_semaphore, #tpu.memory_space<semaphore_mem>>) attributes {dimension_semantics = [#tpu.dimension_semantics<core_parallel>, #tpu.dimension_semantics<subcore_parallel>], iteration_bounds = array<i64: 1, 16>, scalar_prefetch = 0 : i64, scratch_operands = 6 : i64, tpu.core_type = #tpu.core_type<sc_vector_subcore>, window_params = [{transform_indices = #map}, {transform_indices = #map1}, {transform_indices = #map}]} {
    %eq3A = arith.constant 0 : i32
    %eq3A_0 = arith.cmpi eq, %arg0, %eq3A : i32
    %convert_element_type3A = arith.extui %eq3A_0 : i1 to i32
    %cond3A = arith.constant 0 : i32
    %cond3A_1 = arith.cmpi ne, %convert_element_type3A, %cond3A : i32
    scf.if %cond3A_1 {
      %mul3A = arith.constant 16 : i32
      %mul3A_9 = arith.muli %arg1, %mul3A : i32
      "tpu.region"() ({
        %run_scoped3A = tpu.sem_alloc : memref<!tpu.dma_semaphore, #tpu.memory_space<semaphore_mem>>
        %dma_start3A_85 = arith.constant 0 : i32
        %dma_start3A_86 = tpu.memref_slice %arg3[%arg1, %dma_start3A_85] : memref<16x16xi32, #tpu.memory_space<hbm>> -> memref<1x16xi32, #tpu.memory_space<hbm>>
        %dma_start3A_87 = tpu.memref_squeeze %dma_start3A_86 : memref<1x16xi32, #tpu.memory_space<hbm>> -> memref<16xi32, #tpu.memory_space<hbm>>
        %dma_start3A_88 = arith.constant 0 : i32
        %dma_start3A_89 = tpu.memref_slice %arg3[%arg1, %dma_start3A_88] : memref<16x16xi32, #tpu.memory_space<hbm>> -> memref<1x16xi32, #tpu.memory_space<hbm>>
        %dma_start3A_90 = tpu.memref_squeeze %dma_start3A_89 : memref<1x16xi32, #tpu.memory_space<hbm>> -> memref<16xi32, #tpu.memory_space<hbm>>
        tpu.enqueue_dma source(%dma_start3A_90 : memref<16xi32, #tpu.memory_space<hbm>>) target(%arg5 : memref<16xi32, #tpu.memory_space<vmem>>) target_semaphore(%run_scoped3A : memref<!tpu.dma_semaphore, #tpu.memory_space<semaphore_mem>>)
        %dma_wait3A_91 = arith.constant 0 : i32
        %dma_wait3A_92 = tpu.memref_slice %arg3[%arg1, %dma_wait3A_91] : memref<16x16xi32, #tpu.memory_space<hbm>> -> memref<1x16xi32, #tpu.memory_space<hbm>>
        %dma_wait3A_93 = tpu.memref_squeeze %dma_wait3A_92 : memref<1x16xi32, #tpu.memory_space<hbm>> -> memref<16xi32, #tpu.memory_space<hbm>>
        %dma_wait3A_94 = arith.constant 0 : i32
        %dma_wait3A_95 = tpu.memref_slice %arg3[%arg1, %dma_wait3A_94] : memref<16x16xi32, #tpu.memory_space<hbm>> -> memref<1x16xi32, #tpu.memory_space<hbm>>
        %dma_wait3A_96 = tpu.memref_squeeze %dma_wait3A_95 : memref<1x16xi32, #tpu.memory_space<hbm>> -> memref<16xi32, #tpu.memory_space<hbm>>
        tpu.wait_dma2 semaphore(%run_scoped3A : memref<!tpu.dma_semaphore, #tpu.memory_space<semaphore_mem>>) src(%dma_wait3A_96 : memref<16xi32, #tpu.memory_space<hbm>>) dst(%arg5 : memref<16xi32, #tpu.memory_space<vmem>>)
        tpu.yield
      }) : () -> ()
      %get3A = arith.constant 0 : index
      %get3A_10 = tpu.vector_load %arg5[%get3A] {strides = array<i32>} : memref<16xi32, #tpu.memory_space<vmem>>, vector<16xi32>,
      %get3A_11 = vector.shape_cast %get3A_10 : vector<16xi32> to vector<16xi32>
      %iota3A = tpu.iota {dimensions = array<i32: 0>} : vector<16xi32>
      %add3A = vector.broadcast %mul3A_9 : i32 to vector<16xi32>
      %add3A_12 = arith.addi %add3A, %iota3A : vector<16xi32>
      %mul3A_13 = arith.constant 100000 : i32
      %mul3A_14 = vector.broadcast %mul3A_13 : i32 to vector<16xi32>
      %mul3A_15 = arith.muli %add3A_12, %mul3A_14 : vector<16xi32>
      %add3A_16 = arith.addi %mul3A_15, %get3A_11 : vector<16xi32>
      %dma_start3A = arith.constant 0 : i32
      %dma_start3A_17 = tpu.memref_slice %arg2[%dma_start3A] : memref<25600000xf32, #tpu.memory_space<hbm>> -> memref<25600000xf32, #tpu.memory_space<hbm>>
      tpu.enqueue_indirect_dma source(%dma_start3A_17 : memref<25600000xf32, #tpu.memory_space<hbm>>) target(%arg6 : memref<16xf32, #tpu.memory_space<vmem>>) offsets(%add3A_16 : vector<16xi32>) semaphore(%arg10 : memref<!tpu.dma_semaphore, #tpu.memory_space<semaphore_mem>>)
      %dma_wait3A = arith.constant 0 : i32
      %dma_wait3A_18 = tpu.memref_slice %arg2[%dma_wait3A] : memref<25600000xf32, #tpu.memory_space<hbm>> -> memref<25600000xf32, #tpu.memory_space<hbm>>
      tpu.wait_indirect_dma semaphore(%arg10 : memref<!tpu.dma_semaphore, #tpu.memory_space<semaphore_mem>>) src(%dma_wait3A_18 : memref<25600000xf32, #tpu.memory_space<hbm>>) dst(%arg6 : memref<16xf32, #tpu.memory_space<vmem>>)
      %get3A_19 = arith.constant 0 : index
      %get3A_20 = tpu.vector_load %arg6[%get3A_19] {strides = array<i32>} : memref<16xf32, #tpu.memory_space<vmem>>, vector<16xf32>,
      %get3A_21 = vector.shape_cast %get3A_20 : vector<16xf32> to vector<16xf32>
      %bitcast_convert_type3A = tpu.bitcast %get3A_21 : vector<16xf32> -> vector<16xi32>
      %shift_right_arithmetic3A = arith.constant 23 : i32
      %shift_right_arithmetic3A_22 = vector.broadcast %shift_right_arithmetic3A : i32 to vector<16xi32>
      %shift_right_arithmetic3A_23 = arith.shrsi %bitcast_convert_type3A, %shift_right_arithmetic3A_22 : vector<16xi32>
      %and3A_24 = arith.constant 255 : i32
      %and3A_25 = vector.broadcast %and3A_24 : i32 to vector<16xi32>
      %and3A_26 = arith.andi %shift_right_arithmetic3A_23, %and3A_25 : vector<16xi32>
      %sub3A = arith.constant 127 : i32
      %sub3A_27 = vector.broadcast %sub3A : i32 to vector<16xi32>
      %sub3A_28 = arith.subi %and3A_26, %sub3A_27 : vector<16xi32>
      %and3A_29 = arith.constant 8388607 : i32
      %and3A_30 = vector.broadcast %and3A_29 : i32 to vector<16xi32>
      %and3A_31 = arith.andi %bitcast_convert_type3A, %and3A_30 : vector<16xi32>
      %or3A = arith.constant 1065353216 : i32
      %or3A_32 = vector.broadcast %or3A : i32 to vector<16xi32>
      %or3A_33 = arith.ori %and3A_31, %or3A_32 : vector<16xi32>
      %bitcast_convert_type3A_34 = tpu.bitcast %or3A_33 : vector<16xi32> -> vector<16xf32>
      %gt3A = arith.constant 1.41421354 : f32
      %gt3A_35 = vector.broadcast %gt3A : f32 to vector<16xf32>
      %gt3A_36 = arith.cmpf ogt, %bitcast_convert_type3A_34, %gt3A_35 : vector<16xf32>
      %mul3A_37 = arith.constant 5.000000e-01 : f32
      %mul3A_38 = vector.broadcast %mul3A_37 : f32 to vector<16xf32>
      %mul3A_39 = arith.mulf %bitcast_convert_type3A_34, %mul3A_38 : vector<16xf32>
      %select_n3A = arith.select %gt3A_36, %mul3A_39, %bitcast_convert_type3A_34 : vector<16xi1>, vector<16xf32>
      %add3A_40 = arith.constant 1 : i32
      %add3A_41 = vector.broadcast %add3A_40 : i32 to vector<16xi32>
      %add3A_42 = arith.addi %sub3A_28, %add3A_41 : vector<16xi32>
      %select_n3A_43 = arith.select %gt3A_36, %add3A_42, %sub3A_28 : vector<16xi1>, vector<16xi32>
      %sub3A_44 = arith.constant 1.000000e+00 : f32
      %sub3A_45 = vector.broadcast %sub3A_44 : f32 to vector<16xf32>
      %sub3A_46 = arith.subf %select_n3A, %sub3A_45 : vector<16xf32>
      %add3A_47 = arith.constant 1.000000e+00 : f32
      %add3A_48 = vector.broadcast %add3A_47 : f32 to vector<16xf32>
      %add3A_49 = arith.addf %select_n3A, %add3A_48 : vector<16xf32>
      %div3A = arith.divf %sub3A_46, %add3A_49 : vector<16xf32>
      %mul3A_50 = arith.mulf %div3A, %div3A : vector<16xf32>
      %mul3A_51 = arith.constant 2.000000e+00 : f32
      %mul3A_52 = vector.broadcast %mul3A_51 : f32 to vector<16xf32>
      %mul3A_53 = arith.mulf %mul3A_52, %div3A : vector<16xf32>
      %mul3A_54 = arith.constant 0.111111112 : f32
      %mul3A_55 = vector.broadcast %mul3A_54 : f32 to vector<16xf32>
      %mul3A_56 = arith.mulf %mul3A_50, %mul3A_55 : vector<16xf32>
      %add3A_57 = arith.constant 0.142857149 : f32
      %add3A_58 = vector.broadcast %add3A_57 : f32 to vector<16xf32>
      %add3A_59 = arith.addf %add3A_58, %mul3A_56 : vector<16xf32>
      %mul3A_60 = arith.mulf %mul3A_50, %add3A_59 : vector<16xf32>
      %add3A_61 = arith.constant 2.000000e-01 : f32
      %add3A_62 = vector.broadcast %add3A_61 : f32 to vector<16xf32>
      %add3A_63 = arith.addf %add3A_62, %mul3A_60 : vector<16xf32>
      %mul3A_64 = arith.mulf %mul3A_50, %add3A_63 : vector<16xf32>
      %add3A_65 = arith.constant 0.333333343 : f32
      %add3A_66 = vector.broadcast %add3A_65 : f32 to vector<16xf32>
      %add3A_67 = arith.addf %add3A_66, %mul3A_64 : vector<16xf32>
      %mul3A_68 = arith.mulf %mul3A_50, %add3A_67 : vector<16xf32>
      %add3A_69 = arith.constant 1.000000e+00 : f32
      %add3A_70 = vector.broadcast %add3A_69 : f32 to vector<16xf32>
      %add3A_71 = arith.addf %add3A_70, %mul3A_68 : vector<16xf32>
      %mul3A_72 = arith.mulf %mul3A_53, %add3A_71 : vector<16xf32>
      %convert_element_type3A_73 = arith.sitofp %select_n3A_43 : vector<16xi32> to vector<16xf32>
      %mul3A_74 = arith.constant 0.693147182 : f32
      %mul3A_75 = vector.broadcast %mul3A_74 : f32 to vector<16xf32>
      %mul3A_76 = arith.mulf %convert_element_type3A_73, %mul3A_75 : vector<16xf32>
      %add3A_77 = arith.addf %mul3A_72, %mul3A_76 : vector<16xf32>
      %neg3A = arith.constant 0.000000e+00 : f32
      %neg3A_78 = vector.broadcast %neg3A : f32 to vector<16xf32>
      %neg3A_79 = arith.subf %neg3A_78, %add3A_77 : vector<16xf32>
      %swap3A = arith.constant 0 : index
      %swap3A_80 = tpu.vector_load %arg6[%swap3A] {strides = array<i32>} : memref<16xf32, #tpu.memory_space<vmem>>, vector<16xf32>,
      %swap3A_81 = vector.shape_cast %swap3A_80 : vector<16xf32> to vector<16xf32>
      %swap3A_82 = vector.shape_cast %neg3A_79 : vector<16xf32> to vector<16xf32>
      tpu.vector_store %arg6[%swap3A], %swap3A_82 {strides = array<i32>} : memref<16xf32, #tpu.memory_space<vmem>>, vector<16xf32>,
      %mul3A_83 = arith.constant 16 : i32
      %mul3A_84 = arith.muli %arg1, %mul3A_83 : i32
      "tpu.region"() ({
        %run_scoped3A = tpu.sem_alloc : memref<!tpu.dma_semaphore, #tpu.memory_space<semaphore_mem>>
        %dma_start3A_85 = tpu.memref_slice %arg9[%mul3A_84] : memref<256xf32, #tpu.memory_space<vmem_shared>> -> memref<16xf32, #tpu.memory_space<vmem_shared>>
        %dma_start3A_86 = tpu.memref_slice %arg9[%mul3A_84] : memref<256xf32, #tpu.memory_space<vmem_shared>> -> memref<16xf32, #tpu.memory_space<vmem_shared>>
        tpu.enqueue_dma source(%arg6 : memref<16xf32, #tpu.memory_space<vmem>>) target(%dma_start3A_86 : memref<16xf32, #tpu.memory_space<vmem_shared>>) target_semaphore(%run_scoped3A : memref<!tpu.dma_semaphore, #tpu.memory_space<semaphore_mem>>)
        %dma_wait3A_87 = tpu.memref_slice %arg9[%mul3A_84] : memref<256xf32, #tpu.memory_space<vmem_shared>> -> memref<16xf32, #tpu.memory_space<vmem_shared>>
        %dma_wait3A_88 = tpu.memref_slice %arg9[%mul3A_84] : memref<256xf32, #tpu.memory_space<vmem_shared>> -> memref<16xf32, #tpu.memory_space<vmem_shared>>
        tpu.wait_dma2 semaphore(%run_scoped3A : memref<!tpu.dma_semaphore, #tpu.memory_space<semaphore_mem>>) src(%arg6 : memref<16xf32, #tpu.memory_space<vmem>>) dst(%dma_wait3A_88 : memref<16xf32, #tpu.memory_space<vmem_shared>>)
        tpu.yield
      }) : () -> ()
    } else {
    }
    %barrier3A = arith.constant 0 : index
    tpu.barrier barrier_id(%barrier3A)
    %eq3A_2 = arith.constant 0 : i32
    %eq3A_3 = arith.cmpi eq, %arg0, %eq3A_2 : i32
    %eq3A_4 = arith.constant 0 : i32
    %eq3A_5 = arith.cmpi eq, %arg1, %eq3A_4 : i32
    %and3A = arith.andi %eq3A_3, %eq3A_5 : i1
    %convert_element_type3A_6 = arith.extui %and3A : i1 to i32
    %cond3A_7 = arith.constant 0 : i32
    %cond3A_8 = arith.cmpi ne, %convert_element_type3A_6, %cond3A_7 : i32
    scf.if %cond3A_8 {
      "tpu.region"() ({
        %run_scoped3A = tpu.sem_alloc : memref<!tpu.dma_semaphore, #tpu.memory_space<semaphore_mem>>
        tpu.enqueue_dma source(%arg9 : memref<256xf32, #tpu.memory_space<vmem_shared>>) target(%arg7 : memref<256xf32, #tpu.memory_space<vmem>>) target_semaphore(%run_scoped3A : memref<!tpu.dma_semaphore, #tpu.memory_space<semaphore_mem>>)
        tpu.wait_dma2 semaphore(%run_scoped3A : memref<!tpu.dma_semaphore, #tpu.memory_space<semaphore_mem>>) src(%arg9 : memref<256xf32, #tpu.memory_space<vmem_shared>>) dst(%arg7 : memref<256xf32, #tpu.memory_space<vmem>>)
        tpu.yield
      }) : () -> ()
      %broadcast_in_dim3A = arith.constant 0.000000e+00 : f32
      %broadcast_in_dim3A_9 = vector.broadcast %broadcast_in_dim3A : f32 to vector<16xf32>
      %get3A = arith.constant 0 : index
      %get3A_10 = tpu.vector_load %arg7[%get3A] {strides = array<i32>} : memref<256xf32, #tpu.memory_space<vmem>>, vector<16xf32>,
      %get3A_11 = vector.shape_cast %get3A_10 : vector<16xf32> to vector<16xf32>
      %add3A = arith.addf %broadcast_in_dim3A_9, %get3A_11 : vector<16xf32>
      %get3A_12 = arith.constant 16 : index
      %get3A_13 = tpu.vector_load %arg7[%get3A_12] {strides = array<i32>} : memref<256xf32, #tpu.memory_space<vmem>>, vector<16xf32>,
      %get3A_14 = vector.shape_cast %get3A_13 : vector<16xf32> to vector<16xf32>
      %add3A_15 = arith.addf %add3A, %get3A_14 : vector<16xf32>
      %get3A_16 = arith.constant 32 : index
      %get3A_17 = tpu.vector_load %arg7[%get3A_16] {strides = array<i32>} : memref<256xf32, #tpu.memory_space<vmem>>, vector<16xf32>,
      %get3A_18 = vector.shape_cast %get3A_17 : vector<16xf32> to vector<16xf32>
      %add3A_19 = arith.addf %add3A_15, %get3A_18 : vector<16xf32>
      %get3A_20 = arith.constant 48 : index
      %get3A_21 = tpu.vector_load %arg7[%get3A_20] {strides = array<i32>} : memref<256xf32, #tpu.memory_space<vmem>>, vector<16xf32>,
      %get3A_22 = vector.shape_cast %get3A_21 : vector<16xf32> to vector<16xf32>
      %add3A_23 = arith.addf %add3A_19, %get3A_22 : vector<16xf32>
      %get3A_24 = arith.constant 64 : index
      %get3A_25 = tpu.vector_load %arg7[%get3A_24] {strides = array<i32>} : memref<256xf32, #tpu.memory_space<vmem>>, vector<16xf32>,
      %get3A_26 = vector.shape_cast %get3A_25 : vector<16xf32> to vector<16xf32>
      %add3A_27 = arith.addf %add3A_23, %get3A_26 : vector<16xf32>
      %get3A_28 = arith.constant 80 : index
      %get3A_29 = tpu.vector_load %arg7[%get3A_28] {strides = array<i32>} : memref<256xf32, #tpu.memory_space<vmem>>, vector<16xf32>,
      %get3A_30 = vector.shape_cast %get3A_29 : vector<16xf32> to vector<16xf32>
      %add3A_31 = arith.addf %add3A_27, %get3A_30 : vector<16xf32>
      %get3A_32 = arith.constant 96 : index
      %get3A_33 = tpu.vector_load %arg7[%get3A_32] {strides = array<i32>} : memref<256xf32, #tpu.memory_space<vmem>>, vector<16xf32>,
      %get3A_34 = vector.shape_cast %get3A_33 : vector<16xf32> to vector<16xf32>
      %add3A_35 = arith.addf %add3A_31, %get3A_34 : vector<16xf32>
      %get3A_36 = arith.constant 112 : index
      %get3A_37 = tpu.vector_load %arg7[%get3A_36] {strides = array<i32>} : memref<256xf32, #tpu.memory_space<vmem>>, vector<16xf32>,
      %get3A_38 = vector.shape_cast %get3A_37 : vector<16xf32> to vector<16xf32>
      %add3A_39 = arith.addf %add3A_35, %get3A_38 : vector<16xf32>
      %get3A_40 = arith.constant 128 : index
      %get3A_41 = tpu.vector_load %arg7[%get3A_40] {strides = array<i32>} : memref<256xf32, #tpu.memory_space<vmem>>, vector<16xf32>,
      %get3A_42 = vector.shape_cast %get3A_41 : vector<16xf32> to vector<16xf32>
      %add3A_43 = arith.addf %add3A_39, %get3A_42 : vector<16xf32>
      %get3A_44 = arith.constant 144 : index
      %get3A_45 = tpu.vector_load %arg7[%get3A_44] {strides = array<i32>} : memref<256xf32, #tpu.memory_space<vmem>>, vector<16xf32>,
      %get3A_46 = vector.shape_cast %get3A_45 : vector<16xf32> to vector<16xf32>
      %add3A_47 = arith.addf %add3A_43, %get3A_46 : vector<16xf32>
      %get3A_48 = arith.constant 160 : index
      %get3A_49 = tpu.vector_load %arg7[%get3A_48] {strides = array<i32>} : memref<256xf32, #tpu.memory_space<vmem>>, vector<16xf32>,
      %get3A_50 = vector.shape_cast %get3A_49 : vector<16xf32> to vector<16xf32>
      %add3A_51 = arith.addf %add3A_47, %get3A_50 : vector<16xf32>
      %get3A_52 = arith.constant 176 : index
      %get3A_53 = tpu.vector_load %arg7[%get3A_52] {strides = array<i32>} : memref<256xf32, #tpu.memory_space<vmem>>, vector<16xf32>,
      %get3A_54 = vector.shape_cast %get3A_53 : vector<16xf32> to vector<16xf32>
      %add3A_55 = arith.addf %add3A_51, %get3A_54 : vector<16xf32>
      %get3A_56 = arith.constant 192 : index
      %get3A_57 = tpu.vector_load %arg7[%get3A_56] {strides = array<i32>} : memref<256xf32, #tpu.memory_space<vmem>>, vector<16xf32>,
      %get3A_58 = vector.shape_cast %get3A_57 : vector<16xf32> to vector<16xf32>
      %add3A_59 = arith.addf %add3A_55, %get3A_58 : vector<16xf32>
      %get3A_60 = arith.constant 208 : index
      %get3A_61 = tpu.vector_load %arg7[%get3A_60] {strides = array<i32>} : memref<256xf32, #tpu.memory_space<vmem>>, vector<16xf32>,
      %get3A_62 = vector.shape_cast %get3A_61 : vector<16xf32> to vector<16xf32>
      %add3A_63 = arith.addf %add3A_59, %get3A_62 : vector<16xf32>
      %get3A_64 = arith.constant 224 : index
      %get3A_65 = tpu.vector_load %arg7[%get3A_64] {strides = array<i32>} : memref<256xf32, #tpu.memory_space<vmem>>, vector<16xf32>,
      %get3A_66 = vector.shape_cast %get3A_65 : vector<16xf32> to vector<16xf32>
      %add3A_67 = arith.addf %add3A_63, %get3A_66 : vector<16xf32>
      %get3A_68 = arith.constant 240 : index
      %get3A_69 = tpu.vector_load %arg7[%get3A_68] {strides = array<i32>} : memref<256xf32, #tpu.memory_space<vmem>>, vector<16xf32>,
      %get3A_70 = vector.shape_cast %get3A_69 : vector<16xf32> to vector<16xf32>
      %add3A_71 = arith.addf %add3A_67, %get3A_70 : vector<16xf32>
      %iota3A = tpu.iota {dimensions = array<i32: 0>} : vector<16xi32>
      %xor3A = arith.constant 8 : i32
      %xor3A_72 = vector.broadcast %xor3A : i32 to vector<16xi32>
      %xor3A_73 = arith.xori %iota3A, %xor3A_72 : vector<16xi32>
      %reshape3A = vector.shape_cast %xor3A_73 : vector<16xi32> to vector<16x1xi32>
      %gather3A = vector.shape_cast %reshape3A : vector<16x1xi32> to vector<16xi32>
      %gather3A_74 = tpu.dynamic_gather %add3A_71[%gather3A] in [0] : vector<16xf32>, vector<16xi32> -> vector<16xf32>
      %add3A_75 = arith.addf %add3A_71, %gather3A_74 : vector<16xf32>
      %xor3A_76 = arith.constant 4 : i32
      %xor3A_77 = vector.broadcast %xor3A_76 : i32 to vector<16xi32>
      %xor3A_78 = arith.xori %iota3A, %xor3A_77 : vector<16xi32>
      %reshape3A_79 = vector.shape_cast %xor3A_78 : vector<16xi32> to vector<16x1xi32>
      %gather3A_80 = vector.shape_cast %reshape3A_79 : vector<16x1xi32> to vector<16xi32>
      %gather3A_81 = tpu.dynamic_gather %add3A_75[%gather3A_80] in [0] : vector<16xf32>, vector<16xi32> -> vector<16xf32>
      %add3A_82 = arith.addf %add3A_75, %gather3A_81 : vector<16xf32>
      %xor3A_83 = arith.constant 2 : i32
      %xor3A_84 = vector.broadcast %xor3A_83 : i32 to vector<16xi32>
      %xor3A_85 = arith.xori %iota3A, %xor3A_84 : vector<16xi32>
      %reshape3A_86 = vector.shape_cast %xor3A_85 : vector<16xi32> to vector<16x1xi32>
      %gather3A_87 = vector.shape_cast %reshape3A_86 : vector<16x1xi32> to vector<16xi32>
      %gather3A_88 = tpu.dynamic_gather %add3A_82[%gather3A_87] in [0] : vector<16xf32>, vector<16xi32> -> vector<16xf32>
      %add3A_89 = arith.addf %add3A_82, %gather3A_88 : vector<16xf32>
      %xor3A_90 = arith.constant 1 : i32
      %xor3A_91 = vector.broadcast %xor3A_90 : i32 to vector<16xi32>
      %xor3A_92 = arith.xori %iota3A, %xor3A_91 : vector<16xi32>
      %reshape3A_93 = vector.shape_cast %xor3A_92 : vector<16xi32> to vector<16x1xi32>
      %gather3A_94 = vector.shape_cast %reshape3A_93 : vector<16x1xi32> to vector<16xi32>
      %gather3A_95 = tpu.dynamic_gather %add3A_89[%gather3A_94] in [0] : vector<16xf32>, vector<16xi32> -> vector<16xf32>
      %add3A_96 = arith.addf %add3A_89, %gather3A_95 : vector<16xf32>
      %swap3A = arith.constant 0 : index
      %swap3A_97 = tpu.vector_load %arg8[%swap3A] {strides = array<i32>} : memref<16xf32, #tpu.memory_space<vmem>>, vector<16xf32>,
      %swap3A_98 = vector.shape_cast %swap3A_97 : vector<16xf32> to vector<16xf32>
      %swap3A_99 = vector.shape_cast %add3A_96 : vector<16xf32> to vector<16xf32>
      tpu.vector_store %arg8[%swap3A], %swap3A_99 {strides = array<i32>} : memref<16xf32, #tpu.memory_space<vmem>>, vector<16xf32>,
      "tpu.region"() ({
        %run_scoped3A = tpu.sem_alloc : memref<!tpu.dma_semaphore, #tpu.memory_space<semaphore_mem>>
        tpu.enqueue_dma source(%arg8 : memref<16xf32, #tpu.memory_space<vmem>>) target(%arg4 : memref<16xf32, #tpu.memory_space<hbm>>) target_semaphore(%run_scoped3A : memref<!tpu.dma_semaphore, #tpu.memory_space<semaphore_mem>>)
        tpu.wait_dma2 semaphore(%run_scoped3A : memref<!tpu.dma_semaphore, #tpu.memory_space<semaphore_mem>>) src(%arg8 : memref<16xf32, #tpu.memory_space<vmem>>) dst(%arg4 : memref<16xf32, #tpu.memory_space<hbm>>)
        tpu.yield
      }) : () -> ()
    } else {
    }
    return
  }
}

</mosaic_0001>

<sc_bundles>
// kernel: _loss.3.cloned.1.call-start
scs
__scs_entry_jumppad:
0x0: {  	(pc) =	sbr.rel $0x88, $3  }
0x1: {  	(tag) =	ssettag $0x0;
	lr =	simm.s32 $0x1  }
0x2: {  	[smem:$0x3F9F] =	sst lr;
	_ =	strace $0xD0000000  }
0x3: {  	_ = 	snop  }
0x4: {  	_ = 	snop  }
0x5: {  	_ = 	snop  }
0x6: {  	_ = 	snop  }
0x7: {  	_ = 	snop  }
__scs_overlays_trampoline_lowered:
0x8: {  	[smem:$0x3FAE] =	sst s0  }
0x9: {  	[smem:$0x3FAF] =	sst s1  }
0xa: {  	[smem:$0x3FB0] =	sst s2  }
0xb: {  	[smem:$0x3FB1] =	sst s3  }
0xc: {  	[smem:$0x3FB2] =	sst s4  }
0xd: {  	[smem:$0x3FB3] =	sst s5  }
0xe: {  	[smem:$0x3FB4] =	sst s6  }
0xf: {  	[smem:$0x3FB5] =	sst s7  }
0x10: {  	[smem:$0x3FB6] =	sst s8  }
0x11: {  	[smem:$0x3FB7] =	sst s9;
	s0 =	simm.s32 @!p0 $0x0  }
0x12: {  	s1 =	sld [smem:$0x3F9D];
	s0 =	simm.s32 @p0 $0x1  }
0x13: {  	[smem:$0x3FB8] =	sst s0;
	s0 =	simm.s32 @!p1 $0x0  }
0x14: {  	s2 =	sld [smem:$0x3F9C];
	s0 =	simm.s32 @p1 $0x1  }
0x15: {  	[smem:$0x3FB9] =	sst s0;
	s0 =	simm.s32 @!p2 $0x0  }
0x16: {  	s3 =	sld [smem:$0x3FDB];
	s0 =	simm.s32 @p2 $0x1  }
0x17: {  	s4 =	simm.s32 $0x1BF5;
	[smem:$0x3FBB] =	sst s0  }
0x18: {  	s0 =	sld [smem:$0x3F9E];
	_ =	swait.ge [sflag:s4], $0x0  }
0x19: {  	s7 =	sld [smem:$0x3F9F]  }
0x1a: {  	s8 =	sadd.s32 $0xFFFFE003, lr  }
0x1b: {  	s9 =	sadd.s32 $0xFFFFFEF7, lr;
	s5 =	simm.s32 $0xFFFFFFFF;
	p2 =	slt.u32 s8, $0xFFFFF086  }
0x1c: {  	p1 =	slt.u32 s9, $0xF7A;
	s5 =	simm.s32 @!p2 $0x0  }
0x1d: {  	s5 =	simm.s32 @p1 $0x1;
	p0 =	seq.s32 s7, s2  }
0x1e: {  	s7 =	smul.u32 @!p0 $0xF7A, s2;
	p2 =	seq.s32 @!p0 s5, $0x0  }
0x1f: {  	s9 =	smul.u32 $0xF7A, s1;
	s8 =	simm.s32 @!p0 $0x1BF5;
	p2 =	por !p2, p0  }
0x20: {  	[sflag:s8] =	ssyncset.s32 @!p0 $0xFFFFF086;
	s6 =	sadd.s32 @!p0 s3, s7;
	s7 =	simm.s32 @!p0 $0x108  }
0x21: {  	s3 =	sadd.s32 s3, s9;
	s6 =	sadd.s32 @!p0 $0x88, s6;
	s7 =	simm.s32 @p2 $0x1082  }
0x22: {  	[simem:s7], [sflag:s8] =	dma.local @!p0 [hbm:s6], $0xF7A  }
0x23: {  	s9 =	sor.u32 $0xD0000000, s2;
	s6 =	simm.s32 $0x108;
	_ =	swait.ge @!p0 [sflag:s8], $0x0  }
0x24: {  	s3 =	sadd.s32 $0x88, s3;
	s6 =	simm.s32 @!p1 $0x1082;
	[sflag:s4] =	ssyncset.s32 $0xFFFFF086  }
0x25: {  	[simem:s6], [sflag:s4] =	dma.local [hbm:s3], $0xF7A  }
0x26: {  	[smem:$0x3F9F] =	sst s1;
	(tag) =	ssettag s2;
	_ =	strace s9  }
0x27: {  	s1 =	sld [smem:$0x3FAF]  }
0x28: {  	s2 =	sld [smem:$0x3FB0]  }
0x29: {  	s4 =	sld [smem:$0x3FB2]  }
0x2a: {  	p0 =	seq.s32 s5, $0x0;
	s5 =	sld [smem:$0x3FB3]  }
0x2b: {  	s6 =	sld [smem:$0x3FB4]  }
0x2c: {  	s7 =	sld [smem:$0x3FB5]  }
0x2d: {  	s3 =	simm.s32 $0x108;
	s8 =	sld [smem:$0x3FB6]  }
0x2e: {  	s3 =	simm.s32 @!p0 $0x1082;
	s9 =	sld [smem:$0x3FB7]  }
0x2f: {  	lr =	sadd.s32 s0, s3;
	s0 =	sld [smem:$0x3FAE]  }
0x30: {  	s3 =	sld [smem:$0x3FB1]  }
0x31: {  	[smem:$0x3FBA] =	sst s10  }
0x32: {  	s10 =	sld [smem:$0x3FB8];
	_ =	sdelay $0x3  }
0x33: {  	p0 =	seq.s32 s10, $0x1;
	s10 =	sld [smem:$0x3FBA];
	_ =	sdelay $0x3  }
0x34: {  	[smem:$0x3FBA] =	sst s10  }
0x35: {  	s10 =	sld [smem:$0x3FB9];
	_ =	sdelay $0x3  }
0x36: {  	p1 =	seq.s32 s10, $0x1;
	s10 =	sld [smem:$0x3FBA];
	_ =	sdelay $0x3  }
0x37: {  	[smem:$0x3FBA] =	sst s10  }
0x38: {  	s10 =	sld [smem:$0x3FBB]  }
0x39: {  	_ = 	snop;
	(pc) =	sbr.ind lr, $3  }
0x3a: {  	_ = 	snop  }
0x3b: {  	_ = 	snop  }
0x3c: {  	p2 =	seq.s32 s10, $0x1;
	s10 =	sld [smem:$0x3FBA]  }
0x3d: {  	_ =	shalt  }
0x3e: {  	_ =	shalt  }
0x3f: {  	_ =	shalt  }
0x40: {  	_ =	shalt  }
0x41: {  	_ =	shalt  }
0x42: {  	_ =	shalt  }
0x43: {  	_ =	shalt  }
0x44: {  	_ =	shalt  }
0x45: {  	_ =	shalt  }
0x46: {  	_ =	shalt  }
0x47: {  	_ =	shalt  }
0x48: {  	_ =	shalt  }
0x49: {  	_ =	shalt  }
0x4a: {  	_ =	shalt  }
0x4b: {  	_ =	shalt  }
0x4c: {  	_ =	shalt  }
0x4d: {  	_ =	shalt  }
0x4e: {  	_ =	shalt  }
0x4f: {  	_ =	shalt  }
0x50: {  	_ =	shalt  }
0x51: {  	_ =	shalt  }
0x52: {  	_ =	shalt  }
0x53: {  	_ =	shalt  }
0x54: {  	_ =	shalt  }
0x55: {  	_ =	shalt  }
0x56: {  	_ =	shalt  }
0x57: {  	_ =	shalt  }
0x58: {  	_ =	shalt  }
0x59: {  	_ =	shalt  }
0x5a: {  	_ =	shalt  }
0x5b: {  	_ =	shalt  }
0x5c: {  	_ =	shalt  }
0x5d: {  	_ =	shalt  }
0x5e: {  	_ =	shalt  }
0x5f: {  	_ =	shalt  }
0x60: {  	_ =	shalt  }
0x61: {  	_ =	shalt  }
0x62: {  	_ =	shalt  }
0x63: {  	_ =	shalt  }
0x64: {  	_ =	shalt  }
0x65: {  	_ =	shalt  }
0x66: {  	_ =	shalt  }
0x67: {  	_ =	shalt  }
0x68: {  	_ =	shalt  }
0x69: {  	_ =	shalt  }
0x6a: {  	_ =	shalt  }
0x6b: {  	_ =	shalt  }
0x6c: {  	_ =	shalt  }
0x6d: {  	_ =	shalt  }
0x6e: {  	_ =	shalt  }
0x6f: {  	_ =	shalt  }
0x70: {  	_ =	shalt  }
0x71: {  	_ =	shalt  }
0x72: {  	_ =	shalt  }
0x73: {  	_ =	shalt  }
0x74: {  	_ =	shalt  }
0x75: {  	_ =	shalt  }
0x76: {  	_ =	shalt  }
0x77: {  	_ =	shalt  }
0x78: {  	_ =	shalt  }
0x79: {  	_ =	shalt  }
0x7a: {  	_ =	shalt  }
0x7b: {  	_ =	shalt  }
0x7c: {  	_ =	shalt  }
0x7d: {  	_ =	shalt  }
0x7e: {  	_ =	shalt  }
0x7f: {  	_ =	shalt  }
0x80: {  	_ =	shalt  }
0x81: {  	_ =	shalt  }
0x82: {  	_ =	shalt  }
0x83: {  	_ =	shalt  }
0x84: {  	_ =	shalt  }
0x85: {  	_ =	shalt  }
0x86: {  	_ =	shalt  }
0x87: {  	_ =	shalt  }
.Lfunc_end0:
.L_simem_size_0:
called_computation_lowered:
.L_overlay_start_0:
0x88: {  	s0 =	sld [smem:$0x3FD9]  }
0x89: {  	s1 =	sld [smem:$0x3FFE];
	_ =	sdelay $0x3  }
0x8a: {  	s0 =	sadd.s32 s1, s0  }
0x8b: {  	[smem:$0x3FC6] =	sst s0  }
0x8c: {  	_ = 	snop  }
0x8d: {  	s0 =	sld [smem:$0x3FC9]  }
0x8e: {  	s17 =	sld [smem:$0x3FC8]  }
0x8f: {  	s2 =	sld [smem:$0x3FD0];
	(tm) =	ssettm $0x1  }
0x90: {  	s3 =	sld [smem:$0x3FFB];
	_ =	sdelay $0x3  }
0x91: {  	_ =	strace s3  }
0x92: {  	s3 =	sld [smem:$0x3FFC];
	_ =	sdelay $0x3  }
0x93: {  	_ =	strace s3  }
0x94: {  	s3 =	sld [smem:$0x3FFD];
	_ =	sdelay $0x3  }
0x95: {  	_ =	strace s3  }
0x96: {  	_ =	strace $0x8FFFFFFF  }
0x97: {  	s18 =	sld [smem:$0x3FDB];
	_ =	sdelay $0x1  }
0x98: {  	s4 =	simm.s32 $_scs_section_size  }
0x99: {  	s5 =	simm.s32 $_size__tile_overlayer_lowered;
	s6 =	simm.s32 $_tile_overlayer_lowered  }
0x9a: {  	s21 =	simm.s32 $0x1BFF;
	s20 =	sshll.u32 s6, $0x1;
	s3 =	sadd.s32 s4, s18  }
0x9b: {  	s7 =	simm.s32 $0x0;
	s19 =	sshll.u32 s5, $0x1;
	s5 =	sadd.s32 s20, s3  }
0x9c: {  	[timem:s7], [sflag:s21] =	dma.local [hbm:s5], s19  }
0x9d: {  	_ =	swait.ge [sflag:s21], s19  }
0x9e: {  	s4 =	ssub.s32 $0x0, s19;
	[sflag:s21] =	ssyncset.done $0x0  }
0x9f: {  	[sflag:s21] =	ssyncadd.s32 s4;
	_ =	sdelay $0x1  }
0xa0: {  	s22 =	simm.s32 $0x1B8B  }
0xa1: {  	_ =	swait.ge [sflag:s22], $0x1  }
0xa2: {  	[sflag:s22] =	ssyncset.done $0x0  }
0xa3: {  	s23 =	simm.s32 $0x1B8E;
	[sflag:s22] =	ssyncadd.s32 $0xFFFFFFFF  }
0xa4: {  	s24 =	simm.s32 $execute0_lowered;
	[smem:$0x3FD2] =	sst s23  }
0xa5: {  	s4 =	sshll.u32 s24, $0x1;
	_ =	strace $0x80000046;
	[dreg:$0x1] =	wrdreg $0xFFFFFFFF  }
0xa6: {  	s25 =	simm.s32 $_size_execute0_lowered;
	s3 =	sadd.s32 s3, s4;
	[dreg:$0x0] =	wrdreg $0x0  }
0xa7: {  	s4 =	sshll.u32 s25, $0x1;
	[dreg:$0x2] =	wrdreg s3  }
0xa8: {  	[dreg:$0x3] =	wrdreg s4  }
0xa9: {  	[dreg:$0x4] =	wrdreg $0xC0  }
0xaa: {  	_ =	task [dreg:s7], $0x5FFFF  }
0xab: {  	[dreg:$0x1] =	wrdreg $0xFFFFFFFF  }
0xac: {  	[dreg:$0x0] =	wrdreg $0x60  }
0xad: {  	[dreg:$0x2] =	wrdreg s0  }
0xae: {  	[dreg:$0x3] =	wrdreg s17  }
0xaf: {  	[dreg:$0x4] =	wrdreg s2  }
0xb0: {  	[dreg:$0x5] =	wrdreg $0x2800  }
0xb1: {  	[dreg:$0x6] =	wrdreg $0x9  }
0xb2: {  	_ =	task.clear_ibuf [dreg:s7], $0x7FFFF;
	_ =	strace $0x90000046  }
0xb3: {  	s26 =	simm.s32 $0x9;
	_ =	strace $0x80000048  }
0xb4: {  	_ =	swait.ge [sflag:s26], $0x1  }
0xb5: {  	[sflag:s26] =	ssyncadd.s32 $0xFFFFFFFF  }
0xb6: {  	_ =	strace $0x90000048  }
0xb7: {  	_ =	sfence  }
0xb8: {  	s28 =	sld [smem:$0x0];
	_ =	sdelay $0x1  }
0xb9: {  	s29 =	srdreg.scid  }
0xba: {  	s30 =	sshll.u32 s29, $0xD;
	s31 =	sshrl.u32 s29, $0x2  }
0xbb: {  	s1 =	sand.u32 $0x1, s29;
	s2 =	sand.u32 $0x4000, s30;
	s0 =	sadd.s32 s31, s28  }
0xbc: {  	s1 =	sor.u32 s2, s1;
	s0 =	sshll.u32 s0, $0x11  }
0xbd: {  	s0 =	sor.u32 s0, s1  }
0xbe: {  	s0 =	sadd.s32 $0x8F2B, s0  }
0xbf: {  	[sflag:s0] =	ssyncadd.remote.s32 $0x1  }
0xc0: {  	_ =	sfence.sel $0xFFFF  }
0xc1: {  	[dreg:$0x0] =	wrdreg $0xFFFFFFFF;
	(pc) =	sbr.abs _section_cstart, $3  }
0xc2: {  	[dreg:$0x1] =	wrdreg $0xFFFFFFFF  }
0xc3: {  	_ =	task.clear_ibuf [dreg:s7], $0x2FFFF;
	_ =	strace $0x9FFFFFFF  }
0xc4: {  	(tm) =	ssettm $0x7FFFFFFF  }
0xc5: {  	_ =	shalt  }
tec
execute0_lowered:
.L_overlay_start_1:
0x0: {  	(tag) =	ssettag $0x1  }
0x1: {  	s5 =	rddreg [dreg:$0x0]  }
0x2: {  	s3 =	rddreg [dreg:$0x1]  }
0x3: {  	s1 =	rddreg [dreg:$0x2]  }
0x4: {  	s4 =	rddreg [dreg:$0x3];
	s2 =	simm.s32 $0x0;
	s6 =	stileid.u32  }
0x5: {  	[smem:$0x7FF] =	sst s2;
	s7 =	sshll.u32 s6, $0x4  }
0x6: {  	s0 =	rddreg [dreg:$0x4];
	_ =	strace $0x80000047;
	s3 =	sadd.s32 s3, s7  }
0x7: {  	[tilespmem:s2], [sflag:$0x2] =	stream.linear.gather [hbm4b:s3+s2], $0x80, $0x38;
	[tilespmem:$0x290] =	vst v63  }
0x8: {  	s3 =	simm.s32 $0x2  }
0x9: {  	_ =	swait.ge [sflag:s3], $0x80  }
0xa: {  	[sflag:s3] =	ssyncset.done $0x0  }
0xb: {  	[sflag:s3] =	ssyncadd.s32 $0xFFFFFF80  }
0xc: {  	v0 =	vmov s7;
	v1 =	vld [tilespmem:$0x0]  }
0xd: {  	v0 =	vmul.u32 $0x186A0, v0;
	_ =	sdelay $0x1  }
0xe: {  	v2 =	vlaneseq.u32;
	v0 =	vbroadcast v0, $0x0  }
0xf: {  	v2 =	vmul.u32 $0x186A0, v2  }
0x10: {  	v0 =	vadd.s32 v1, v0  }
0x11: {  	v0 =	vadd.s32 v2, v0;
	_ =	sdelay $0x3  }
0x12: {  	vm0 =	vmmov $0xffff;
	s8 =	simm.s32 $0x80;
	s30 =	simm.s32 $0x1  }
0x13: {  	[tilespmem:s8], [sflag:$0x1] =	stream.indirect_vreg.gather [hbm4b:s5+s2], $0x1, v0, vm0, $0xb8;
	[tilespmem:$0x290] =	vst v63  }
0x14: {  	_ =	swait.ge [sflag:s30], $0x10  }
0x15: {  	[sflag:s30] =	ssyncset.done $0x0  }
0x16: {  	[sflag:s30] =	ssyncadd.s32 $0xFFFFFFF0  }
0x17: {  	v60 =	vld [tilespmem:$0x80];
	_ =	sdelay $0x4  }
0x18: {  	v61 =	vand.u32 $0x7FFFFF, v60  }
0x19: {  	v1 =	vor.u32 $0x3F800000, v61  }
0x1a: {  	v62 =	vmul.f32 $5.000000000e-01, v1  }
0x1b: {  	vm15 =	vgt.f32 v1, $1.414213540e+00  }
0x1c: {  	v1 =	vsel vm15, v62, v1  }
0x1d: {  	v2 =	vadd.f32 $1.000000000e+00, v1;
	_ =	sdelay $0x1  }
0x1e: {  	(erf) = vrcp.f32 v2;
	_ =	sdelay $0x7  }
0x1f: {  	v1 =	vadd.f32 $-1.000000000e+00, v1  }
0x20: {  	v2 =	vpop (erf)  }
0x21: {  	v1 =	vmul.f32 v2, v1;
	_ =	sdelay $0x1  }
0x22: {  	v2 =	vmul.f32 v1, v1;
	_ =	sdelay $0x1  }
0x23: {  	v3 =	vmul.f32 $1.111111120e-01, v2;
	_ =	sdelay $0x1  }
0x24: {  	v3 =	vadd.f32 $1.428571490e-01, v3;
	_ =	sdelay $0x1  }
0x25: {  	v3 =	vmul.f32 v3, v2;
	_ =	sdelay $0x1  }
0x26: {  	v3 =	vadd.f32 $2.000000030e-01, v3;
	_ =	sdelay $0x1  }
0x27: {  	v3 =	vmul.f32 v3, v2;
	_ =	sdelay $0x1  }
0x28: {  	v3 =	vadd.f32 $3.333333430e-01, v3  }
0x29: {  	v4 =	vimm.s32 $0xFFFFFF81;
	v0 =	vshrl.u32 v60, $0x17  }
0x2a: {  	v0 =	vand.u32 $0xFF, v0;
	v63 =	vsel vm15, $0xFFFFFF82, v4;
	v2 =	vmul.f32 v3, v2  }
0x2b: {  	v0 =	vadd.s32 v0, v63  }
0x2c: {  	v0 =	vcvt.s32.f32 v0;
	v1 =	vadd.f32 v1, v1;
	v2 =	vadd.f32 $1.000000000e+00, v2;
	_ =	sdelay $0x1  }
0x2d: {  	v0 =	vmul.f32 $6.931471820e-01, v0;
	v1 =	vmul.f32 v2, v1;
	_ =	sdelay $0x1  }
0x2e: {  	v0 =	vadd.f32 v1, v0;
	_ =	sdelay $0x1  }
0x2f: {  	v0 =	vsub.f32 $0.0e+00, v0;
	_ =	sdelay $0x1  }
0x30: {  	s31 =	sadd.s32 s7, s4;
	[tilespmem:$0x80] =	vst v0  }
0x31: {  	[spmem:s31] =	stream.linear.scatter [tilespmem:s8], [sflag:$0x2], $0x10, $0x38;
	[tilespmem:$0x290] =	vst v63  }
0x32: {  	_ =	swait.ge [sflag:s3], $0x10  }
0x33: {  	[sflag:s3] =	ssyncset.done $0x0  }
0x34: {  	[sflag:s3] =	ssyncadd.s32 $0xFFFFFFF0  }
0x35: {  	p0 =	sne.s32 s6, $0x0;
	[bflag:$0x0] =	sbarrier.arrive $0xFFFF  }
0x36: {  	_ =	sfence.sel @p0 $0x180000  }
0x37: {  	[bflag:$0x0] =	sbarrier.arrive @p0 $0xFFFF  }
0x38: {  	_ =	strace @p0 $0x90000047  }
0x39: {  	[bflag:$0x2] =	sbarrier.arrive @p0 $0xFFFF  }
0x3a: {  	_ =	shalt @p0  }
.LBB2_1:
0x3b: {  	s5 =	simm.s32 $0x100  }
0x3c: {  	[tilespmem:s5], [sflag:$0x2] =	stream.linear.gather [spmem:s4], $0x100, $0x38;
	[tilespmem:$0x290] =	vst v63  }
0x3d: {  	_ =	swait.ge [sflag:s3], $0x100  }
0x3e: {  	[sflag:s3] =	ssyncset.done $0x0  }
0x3f: {  	[sflag:s3] =	ssyncadd.s32 $0xFFFFFF00  }
0x40: {  	v0 =	vld [tilespmem:$0x100];
	_ =	sdelay $0x1  }
0x41: {  	v1 =	vld [tilespmem:$0x110];
	_ =	sdelay $0x1  }
0x42: {  	v2 =	vld [tilespmem:$0x120]  }
0x43: {  	v0 =	vadd.f32 $0.0e+00, v0  }
0x44: {  	v3 =	vld [tilespmem:$0x130]  }
0x45: {  	v0 =	vadd.f32 v1, v0  }
0x46: {  	v42 =	vld [tilespmem:$0x140]  }
0x47: {  	v0 =	vadd.f32 v2, v0  }
0x48: {  	v43 =	vld [tilespmem:$0x150]  }
0x49: {  	v0 =	vadd.f32 v3, v0  }
0x4a: {  	v44 =	vld [tilespmem:$0x160]  }
0x4b: {  	v0 =	vadd.f32 v42, v0  }
0x4c: {  	v45 =	vld [tilespmem:$0x170]  }
0x4d: {  	v0 =	vadd.f32 v43, v0  }
0x4e: {  	v46 =	vld [tilespmem:$0x180]  }
0x4f: {  	v0 =	vadd.f32 v44, v0  }
0x50: {  	v47 =	vld [tilespmem:$0x190]  }
0x51: {  	v0 =	vadd.f32 v45, v0  }
0x52: {  	v48 =	vld [tilespmem:$0x1A0]  }
0x53: {  	v0 =	vadd.f32 v46, v0  }
0x54: {  	v49 =	vld [tilespmem:$0x1B0]  }
0x55: {  	v0 =	vadd.f32 v47, v0  }
0x56: {  	v50 =	vld [tilespmem:$0x1C0]  }
0x57: {  	v0 =	vadd.f32 v48, v0  }
0x58: {  	v51 =	vld [tilespmem:$0x1D0]  }
0x59: {  	v0 =	vadd.f32 v49, v0  }
0x5a: {  	v4 =	vimm.s32 $0xFEDCBA98;
	v52 =	vld [tilespmem:$0x1E0]  }
0x5b: {  	v54 =	vimm.s32 $0x76543210;
	v4 =	vunpack.c.l.s4.s8 v4;
	v0 =	vadd.f32 v50, v0  }
0x5c: {  	v53 =	vld [tilespmem:$0x1F0];
	v1 =	vunpack.c.l.s4.s8 v54  }
0x5d: {  	v55 =	vunpack.c.0.s8.s32 v4;
	v0 =	vadd.f32 v51, v0  }
0x5e: {  	v56 =	vimm.s32 $0xBA98FEDC;
	v1 =	vunpack.c.0.s8.s32 v1  }
0x5f: {  	v57 =	vimm.s32 $0x32107654;
	v2 =	vand.u32 $0xF, v55;
	v0 =	vadd.f32 v52, v0  }
0x60: {  	v1 =	vcombine.low v2, v1;
	v2 =	vunpack.c.l.s4.s8 v56;
	v3 =	vunpack.c.l.s4.s8 v57  }
0x61: {  	v0 =	vadd.f32 v53, v0  }
0x62: {  	v2 =	vunpack.c.0.s8.s32 v2;
	v3 =	vunpack.c.0.s8.s32 v3  }
0x63: {  	v1 =	vperm.xlane v0, v1  }
0x64: {  	v59 =	vimm.s32 $0xDCFE98BA;
	v60 =	vimm.s32 $0x54761032;
	v58 =	vcombine.low v3, v2  }
0x65: {  	v2 =	vunpack.c.l.s4.s8 v59;
	v3 =	vunpack.c.l.s4.s8 v60;
	v0 =	vadd.f32 v1, v0  }
0x66: {  	v62 =	vimm.s32 $0x67452301  }
0x67: {  	v2 =	vunpack.c.0.s8.s32 v2;
	v3 =	vunpack.c.0.s8.s32 v3;
	v1 =	vperm.xlane v0, v58  }
0x68: {  	v61 =	vimm.s32 $0xEFCDAB89;
	v63 =	vunpack.c.l.s4.s8 v62  }
0x69: {  	v2 =	vcombine.low v3, v2;
	v0 =	vadd.f32 v1, v0;
	v1 =	vunpack.c.l.s4.s8 v61;
	_ =	sdelay $0x1  }
0x6a: {  	v3 =	vunpack.c.0.s8.s32 v63;
	v2 =	vperm.xlane v0, v2;
	v1 =	vunpack.c.0.s8.s32 v1;
	_ =	sdelay $0x1  }
0x6b: {  	v0 =	vadd.f32 v2, v0;
	v1 =	vcombine.low v3, v1;
	_ =	sdelay $0x1  }
0x6c: {  	v1 =	vperm.xlane v0, v1;
	_ =	sdelay $0x1  }
0x6d: {  	v0 =	vadd.f32 v1, v0;
	_ =	sdelay $0x1  }
0x6e: {  	s31 =	simm.s32 $0x200;
	[tilespmem:$0x200] =	vst v0  }
0x6f: {  	[hbm4b:s1+s2] =	stream.linear.scatter [tilespmem:s31], [sflag:$0x2], $0x80, $0x38;
	[tilespmem:$0x290] =	vst v63  }
0x70: {  	_ =	swait.ge [sflag:s3], $0x80  }
0x71: {  	[sflag:s3] =	ssyncset.done $0x0  }
0x72: {  	[sflag:s3] =	ssyncadd.s32 $0xFFFFFF80  }
0x73: {  	_ =	sfence.sel $0x180000  }
0x74: {  	[bflag:$0x0] =	sbarrier.arrive $0xFFFF  }
0x75: {  	_ =	strace $0x90000047  }
0x76: {  	s0 =	sadd.s32 $0x100000, s0;
	[bflag:$0x2] =	sbarrier.arrive $0xFFFF  }
0x77: {  	[sflag:s0] =	ssyncadd.tile.s32 $0x1;
	_ =	shalt  }
.Lfunc_end2:
_tile_overlayer_lowered:
.L_overlay_start_2:
0x78: {  	(tag) =	ssettag $0x2  }
0x79: {  	s0 =	rddreg [dreg:$0x0];
	s2 =	stileid.u32  }
0x7a: {  	s1 =	rddreg [dreg:$0x1];
	p0 =	sne.s32 s2, $0x0  }
0x7b: {  	s3 =	rddreg [dreg:$0x2];
	[bflag:$0x3] =	sbarrier.arrive $0xFFFF;
	s2 =	simm.s32 @!p0 $0x1C02  }
0x7c: {  	[timem:s3], [sflag:s2] =	dma.local @!p0 [hbm:s0], s1  }
0x7d: {  	s0 =	simm.s32 @!p0 $0x2  }
0x7e: {  	_ =	swait.ge @!p0 [sflag:s0], s1  }
0x7f: {  	s1 =	ssub.s32 @!p0 $0x0, s1;
	[sflag:s0] =	ssyncset.done @!p0 $0x0  }
0x80: {  	[sflag:s0] =	ssyncadd.s32 @!p0 s1  }
0x81: {  	[bflag:$0x3] =	sbarrier.arrive $0xFFFF  }
0x82: {  	_ =	shalt  }

</sc_bundles>
